<compile_context>
chip_gen: v7x
topology: tpu7x:2x2x1
jax: 0.10.2.dev20260603
libtpu: 0.0.44.dev20260713+nightly
codegen_flags: <defaults>
</compile_context>

<pallas_src>
import jax
import jax.numpy as jnp
from jax.experimental import pallas as pl


def _body(patch_ref, out_ref):
    out_ref[...] = patch_ref[...]


@jax.jit
def kernel(patch_input, noise):
    bs, c, n, f = patch_input.shape
    p3 = patch_input.reshape(bs * c, (n * f) // 128, 128)
    out = pl.pallas_call(
        _body,
        grid=(64,),
        in_specs=[pl.BlockSpec((64, (n * f) // 128, 128), lambda i: (i, 0, 0))],
        out_specs=pl.BlockSpec((64, (n * f) // 128, 128), lambda i: (i, 0, 0)),
        out_shape=jax.ShapeDtypeStruct((bs * c, (n * f) // 128, 128), jnp.float32),
    )(p3)
    return out.reshape(bs, c, n, f), (noise > 0.5)

# --- scband reference (transcript-rebuilt; emitter-appended) ---
"""Pipeline reference for scband-patch-tstmasking-32547262169586 (READ-ONLY COPY).

The authoritative reference and input builder live on the scoring server;
editing this copy changes nothing except your own understanding.
"""

import jax, jax.numpy as jnp
import numpy as np

BS, C, N, F = 128, 32, 512, 16
MASK_RATIO = 0.4
MASK_VALUE = 0.0


def setup_inputs(seed: int = 0) -> dict:
    key = jax.random.key(seed)
    k1, k2 = jax.random.split(key)
    patch_input = jax.random.normal(k1, (BS, C, N, F), dtype=jnp.float32)
    # RNG noise used by random_masking (torch.rand equivalent), materialized for determinism
    noise = jax.random.uniform(k2, (BS, C, N), dtype=jnp.float32)
    return {"patch_input": patch_input, "noise": noise}


def reference(patch_input, noise):
    bs, c, n, f = patch_input.shape
    len_keep = int(n * (1 - MASK_RATIO))
    # mask: 0 keep, 1 mask (before shuffle)
    mask = jnp.ones((bs, c, n), dtype=jnp.float32)
    mask = mask.at[:, :, :len_keep].set(0.0)
    # shuffle / restore index computation exactly as in torch random_masking
    ids_shuffle = jnp.argsort(noise, axis=-1)
    ids_restore = jnp.argsort(ids_shuffle, axis=-1)
    mask = jnp.take_along_axis(mask, ids_restore, axis=-1)
    mask_full = jnp.repeat(mask[..., None], f, axis=-1)
    # masked_fill(mask.bool(), mask_value)
    masked_input = jnp.where(mask_full.astype(bool), jnp.float32(MASK_VALUE), patch_input)
    return masked_input, mask.astype(bool)

if __name__ == "__main__":
    import jax
    _d = setup_inputs()
    print(jax.jit(kernel)(*tuple(_d.values())))

</pallas_src>

<mosaic_0001>
module attributes {stable_mosaic.version = 14 : i64} {
  func.func @_body(%arg0: i32, %arg1: memref<64x64x128xf32, #tpu.memory_space<vmem>>, %arg2: memref<64x64x128xf32, #tpu.memory_space<vmem>>) attributes {dimension_semantics = [#tpu.dimension_semantics<arbitrary>], iteration_bounds = array<i64: 64>, scalar_prefetch = 0 : i64, scratch_operands = 0 : i64, tpu.core_type = #tpu.core_type<tc>, window_params = [{transform_indices = @transform_0, window_bounds = array<i64: 64, 64, 128>}, {transform_indices = @transform_1, window_bounds = array<i64: 64, 64, 128>}]} {
    %get3A = arith.constant 0 : index
    %get3A_0 = arith.constant 0 : index
    %get3A_1 = arith.constant 0 : index
    %get3A_2 = vector.load %arg1[%get3A, %get3A_0, %get3A_1] : memref<64x64x128xf32, #tpu.memory_space<vmem>>, vector<64x64x128xf32>
    %swap3A = arith.constant 0 : index
    %swap3A_3 = arith.constant 0 : index
    %swap3A_4 = arith.constant 0 : index
    %swap3A_5 = vector.load %arg2[%swap3A, %swap3A_3, %swap3A_4] : memref<64x64x128xf32, #tpu.memory_space<vmem>>, vector<64x64x128xf32>
    tpu.vector_store %arg2[%swap3A, %swap3A_3, %swap3A_4], %get3A_2 {strides = array<i32>} : memref<64x64x128xf32, #tpu.memory_space<vmem>>, vector<64x64x128xf32>,
    return
  }
  func.func @transform_0(%arg0: i32) -> (i32, i32, i32) {
    %c0_i32 = arith.constant 0 : i32
    %c0_i32_0 = arith.constant 0 : i32
    %c0_i32_1 = arith.constant 0 : i32
    return %arg0, %c0_i32, %c0_i32_0 : i32, i32, i32
  }
  func.func @transform_1(%arg0: i32) -> (i32, i32, i32) {
    %c0_i32 = arith.constant 0 : i32
    %c0_i32_0 = arith.constant 0 : i32
    %c0_i32_1 = arith.constant 0 : i32
    return %arg0, %c0_i32, %c0_i32_0 : i32, i32, i32
  }
}

</mosaic_0001>

<sc_bundles>
// kernel: sparse-core-data-format-call.cloned.1.call-start
scs
called_computation_lowered:
.L_overlay_start_0:
0x0: {  	s2 =	sld [smem:$0x3FD9]  }
0x1: {  	s3 =	sld [smem:$0x3FFE];
	_ =	sdelay $0x1  }
0x2: {  	s1 =	srdreg.scid  }
0x3: {  	s0 =	sand.u32 $0x1, s1  }
0x4: {  	s15 =	sshll.u32 s0, $0xA;
	s2 =	sadd.s32 s3, s2  }
0x5: {  	s2 =	sadd.s32 s2, s15  }
0x6: {  	[smem:$0x3FC6] =	sst s2  }
0x7: {  	_ = 	snop  }
0x8: {  	s2 =	sld [smem:$0x3FD0];
	_ =	sdelay $0x2  }
0x9: {  	s16 =	simm.s32 $0xA;
	s4 =	simm.s32 $0x10  }
0xa: {  	[smem:s4], [sflag:s16] =	dma.local [hbm:s2], $0x1  }
0xb: {  	_ =	swait.eq [sflag:s16], $0x1  }
0xc: {  	[sflag:s16] =	ssyncset.done $0x0  }
0xd: {  	[sflag:s16] =	ssyncadd.s32 $0xFFFFFFFF  }
0xe: {  	s17 =	sld [smem:$0x10];
	(tm) =	ssettm $0x1  }
0xf: {  	s18 =	sld [smem:$0x3FFB];
	_ =	sdelay $0x3  }
0x10: {  	_ =	strace s18  }
0x11: {  	s3 =	sld [smem:$0x3FFC];
	_ =	sdelay $0x3  }
0x12: {  	_ =	strace s3  }
0x13: {  	s3 =	sld [smem:$0x3FFD];
	_ =	sdelay $0x3  }
0x14: {  	_ =	strace s3  }
0x15: {  	_ =	strace $0x8FFFFFFF  }
0x16: {  	s19 =	sld [smem:$0x3FDB];
	_ =	sdelay $0x1  }
0x17: {  	s20 =	simm.s32 $_scs_section_size  }
0x18: {  	s5 =	simm.s32 $_size__tile_overlayer_lowered;
	s6 =	simm.s32 $_tile_overlayer_lowered  }
0x19: {  	s23 =	simm.s32 $0x1BFF;
	s22 =	sshll.u32 s6, $0x1;
	s3 =	sadd.s32 s20, s19  }
0x1a: {  	s7 =	simm.s32 $0x0;
	s21 =	sshll.u32 s5, $0x1;
	s5 =	sadd.s32 s22, s3  }
0x1b: {  	[timem:s7], [sflag:s23] =	dma.local [hbm:s5], s21  }
0x1c: {  	_ =	swait.ge [sflag:s23], s21  }
0x1d: {  	s4 =	ssub.s32 $0x0, s21;
	[sflag:s23] =	ssyncset.done $0x0  }
0x1e: {  	[sflag:s23] =	ssyncadd.s32 s4;
	_ =	sdelay $0x1  }
0x1f: {  	s24 =	simm.s32 $0x1B8B  }
0x20: {  	_ =	swait.ge [sflag:s24], $0x1  }
0x21: {  	[sflag:s24] =	ssyncset.done $0x0  }
0x22: {  	s26 =	simm.s32 $0x1B8E;
	s25 =	sld [smem:$0x3FFE];
	[sflag:s24] =	ssyncadd.s32 $0xFFFFFFFF  }
0x23: {  	s27 =	simm.s32 $execute0_lowered;
	[smem:$0x3FD2] =	sst s26  }
0x24: {  	s5 =	sshll.u32 s27, $0x1;
	_ =	strace $0x80000046;
	[dreg:$0x1] =	wrdreg $0xFFFFFFFF  }
0x25: {  	s28 =	simm.s32 $_size_execute0_lowered;
	s3 =	sadd.s32 s3, s5;
	[dreg:$0x0] =	wrdreg $0x0  }
0x26: {  	s5 =	sshll.u32 s28, $0x1;
	[dreg:$0x2] =	wrdreg s3  }
0x27: {  	[dreg:$0x3] =	wrdreg s5  }
0x28: {  	[dreg:$0x4] =	wrdreg $0xC0  }
0x29: {  	_ =	task [dreg:s7], $0x5FFFF  }
0x2a: {  	[dreg:$0x1] =	wrdreg $0xFFFFFFFF  }
0x2b: {  	[dreg:$0x0] =	wrdreg $0x60  }
0x2c: {  	[dreg:$0x2] =	wrdreg s25  }
0x2d: {  	[dreg:$0x3] =	wrdreg s17  }
0x2e: {  	[dreg:$0x4] =	wrdreg $0x9  }
0x2f: {  	_ =	task.clear_ibuf [dreg:s7], $0x5FFFF;
	_ =	strace $0x90000046  }
0x30: {  	s29 =	simm.s32 $0x9;
	_ =	strace $0x80000048  }
0x31: {  	_ =	swait.ge [sflag:s29], $0x1  }
0x32: {  	[sflag:s29] =	ssyncadd.s32 $0xFFFFFFFF  }
0x33: {  	_ =	strace $0x90000048  }
0x34: {  	_ =	sfence  }
0x35: {  	s30 =	sld [smem:$0x0];
	_ =	sdelay $0x2  }
0x36: {  	s31 =	sshll.u32 s1, $0xD;
	s1 =	sshrl.u32 s1, $0x2  }
0x37: {  	s3 =	sand.u32 $0x4000, s31;
	s1 =	sadd.s32 s1, s30  }
0x38: {  	s0 =	sor.u32 s3, s0;
	s1 =	sshll.u32 s1, $0x11  }
0x39: {  	s0 =	sor.u32 s1, s0  }
0x3a: {  	s0 =	sadd.s32 $0x8F2B, s0  }
0x3b: {  	[sflag:s0] =	ssyncadd.remote.s32 $0x1  }
0x3c: {  	_ =	sfence.sel $0xFFFF  }
0x3d: {  	[dreg:$0x0] =	wrdreg $0xFFFFFFFF;
	(pc) =	sbr.abs _section_cstart, $3  }
0x3e: {  	[dreg:$0x1] =	wrdreg $0xFFFFFFFF  }
0x3f: {  	_ =	task.clear_ibuf [dreg:s7], $0x2FFFF;
	_ =	strace $0x9FFFFFFF  }
0x40: {  	(tm) =	ssettm $0x7FFFFFFF  }
0x41: {  	_ =	shalt  }
tec
execute0_lowered:
.L_overlay_start_1:
0x0: {  	(tag) =	ssettag $0x1  }
0x1: {  	s4 =	rddreg [dreg:$0x0]  }
0x2: {  	s2 =	rddreg [dreg:$0x1]  }
0x3: {  	s0 =	stileid.u32;
	s1 =	rddreg [dreg:$0x2];
	_ =	strace $0x80000047  }
0x4: {  	s6 =	srdreg.scid;
	s31 =	simm.s32 $0x2;
	s15 =	simm.s32 $0x0  }
0x5: {  	s17 =	simm.s32 $0x0;
	s18 =	simm.s32 $0x0;
	s16 =	simm.s32 $0x0  }
0x6: {  	s10 =	simm.s32 $0x0;
	s12 =	simm.s32 $0x0;
	s3 =	sshll.u32 s0, $0x7  }
0x7: {  	s14 =	simm.s32 $0x0;
	s6 =	sshll.u32 s6, $0x4;
	s3 =	sand.u32 $0x180, s3  }
0x8: {  	s4 =	sadd.s32 $0x400600, s4;
	s6 =	sand.u32 $0x10, s6;
	s5 =	ssub.s32 $0x200, s3  }
0x9: {  	s7 =	sand.u32 $0x180, s5;
	s8 =	sshrl.u32 s5, $0x9;
	s5 =	simm.s32 $0x1  }
.Ltmp0:
0xa: {  	p0 =	sne.s32 s7, $0x0;
	s7 =	simm.s32 $0x1;
	(pc) =	sbr.rel .LBB1_1-.Ltmp0, $4  }
0xb: {  	s9 =	sor.u32 s0, s6;
	[sflag:s5] =	ssyncpa.u1 $0x0;
	s7 =	simm.s32 @!p0 $0x0  }
0xc: {  	s13 =	smov.u32 s3;
	[sflag:s31] =	ssyncpa.u1 $0x0;
	s30 =	sadd.s32 s7, s8  }
0xd: {  	p0 =	por $0x0, $0x0;
	s7 =	sshrl.u32 s9, $0x2;
	s6 =	sshll.u32 s30, $0x6  }
0xe: {  	s9 =	simm.s32 $0x1000;
	s11 =	smov.u32 s7;
	s8 =	sor.u32 $0x1, s6  }
.LBB1_7:
0xf: {  	s19 =	sadd.s32 $0x8, s10  }
0x10: {  	s15 =	sadd.s32 $0x8, s11;
	s20 =	smov.u32 s11;
	p2 =	sgt.s32 s19, $0x1F  }
0x11: {  	s20 =	smov.u32 @p2 s15  }
0x12: {  	s21 =	smov.u32 s12;
	s15 =	sadd.s32 $0x10, s12;
	p3 =	sgt.s32 s20, $0x7F  }
0x13: {  	s21 =	smov.u32 @p3 s15  }
0x14: {  	s22 =	smov.u32 s13;
	s15 =	sadd.s32 $0x200, s13;
	p4 =	sgt.s32 s21, $0xF  }
0x15: {  	p1 =	slt.u32 s14, $0x2;
	s22 =	smov.u32 @p4 s15  }
0x16: {  	s17 =	smov.u32 s11;
	s19 =	simm.s32 @p2 $0x0;
	p2 =	sgt.s32 s22, $0x1FF  }
0x17: {  	s23 =	simm.s32 @!p1 $0x2;
	s22 =	smov.u32 @p2 s3;
	p2 =	sne.s32 s14, s8  }
.Ltmp1:
0x18: {  	s18 =	smov.u32 s12;
	_ =	swait.ge @!p1 [sflag:s23], $0x4000;
	(pc) =	sbr.rel @!p2 .LBB1_8-.Ltmp1, $4  }
0x19: {  	s16 =	smov.u32 s13;
	[sflag:s23] =	ssyncset.done @!p1 $0x0;
	s20 =	smov.u32 @p3 s7  }
0x1a: {  	p0 =	por !p0, !p0;
	[sflag:s23] =	ssyncadd.s32 @!p1 $0xFFFFC000;
	s11 =	smov.u32 s20  }
0x1b: {  	s21 =	simm.s32 @p4 $0x0;
	s15 =	smov.u32 s10;
	s10 =	smov.u32 s19  }
0x1c: {  	s12 =	smov.u32 s21;
	s14 =	sadd.s32 $0x1, s14;
	s13 =	smov.u32 s22  }
.LBB1_1:
0x1d: {  	p1 =	sge.u32 s14, s6;
	s31 =	sadd.s32 $0xFFFFFFFF, s14  }
0x1e: {  	s19 =	sshll.u32 @!p1 s11, $0x7;
	s20 =	sshll.u32 @!p1 s10, $0x3;
	s22 =	sxor.u32 @!p1 $0xFFFFFFFF, s14  }
0x1f: {  	s23 =	sshrl.u32 @!p1 s10, $0x3;
	s21 =	sand.u32 @!p1 $0x3C00, s19;
	s20 =	sand.u32 @!p1 $0x3C00, s20  }
0x20: {  	s19 =	sand.u32 @!p1 $0x380, s19;
	s20 =	sadd.s32 @!p1 s21, s20;
	s21 =	sshll.u32 @!p1 s22, $0xE  }
0x21: {  	s19 =	sor.u32 @!p1 s19, s20;
	s20 =	sand.u32 @!p1 $0x4000, s21;
	s21 =	sshll.u32 @!p1 s13, $0xF  }
0x22: {  	s23 =	sand.u32 @!p1 $0xF, s23;
	s22 =	sshll.u32 @!p1 s12, $0xB;
	s21 =	sadd.s32 @!p1 s4, s21  }
0x23: {  	s19 =	sshrl.u32 @!p1 s19, $0x3;
	s21 =	sadd.s32 @!p1 s22, s21;
	s22 =	sand.u32 @!p1 $0x7, s10  }
0x24: {  	s19 =	sand.u32 @!p1 $0x7F0, s19;
	s21 =	sadd.s32 @!p1 s23, s21;
	s22 =	sshll.u32 @!p1 s22, $0x12  }
0x25: {  	s19 =	sadd.s32 @!p1 s19, s21;
	s21 =	sor.u32 @!p1 $0x8, s22;
	s22 =	simm.s32 @!p1 $0x4000  }
0x26: {  	[tilespmem:s20], [sflag:$0x1] =	stream.strided.gather @!p1 [hbm4b:s19+s21], $0x4000, s22, s21, $0x38;
	[tilespmem:$0x10100] =	vst v63  }
0x27: {  	p1 =	sge.u32 s31, s6  }
.Ltmp2:
0x28: {  	_ = 	snop;
	(pc) =	sbr.rel @p1 .LBB1_7-.Ltmp2, $1  }
0x29: {  	_ =	sdelay $0x3  }
0x2a: {  	s19 =	simm.s32 $0x1;
	s20 =	sand.u32 $0x1, s14  }
0x2b: {  	s19 =	simm.s32 @!p0 $0x0;
	s22 =	smul.u32 $0x10200, s20  }
0x2c: {  	_ =	swait.ge [sflag:s5], $0x4000;
	s21 =	smul.u32 $0x10200, s19  }
0x2d: {  	[sflag:s5] =	ssyncset.done $0x0;
	s20 =	sshll.u32 s19, $0xE  }
0x2e: {  	[sflag:s5] =	ssyncadd.s32 $0xFFFFC000;
	s31 =	sshrl.u32 s22, $0x2;
	s30 =	sshrl.u32 s21, $0x2  }
0x2f: {  	s22 =	simm.s32 $0x0;
	s19 =	sor.u32 $0x8000, s31;
	s21 =	sor.u32 $0x8000, s30  }
.LBB1_3:
0x30: {  	v0 =	vmov s20;
	_ =	sdelay $0x3  }
0x31: {  	s23 =	simm.s32 $0x0  }
0x32: {  	v1 =	vld.idx.msk [tilespmem:v0+s23+$0x0 ss:$0x1], $0xff;
	_ =	sdelay $0x2  }
0x33: {  	s24 =	simm.s32 $0x20;
	s23 =	smov.u32 s21  }
.LBB1_4:
0x34: {  	s25 =	sshra.s32 s24, $0x2;
	p1 =	sne.s32 s24, $0x1E0;
	s24 =	sadd.s32 $0x20, s24  }
.Ltmp3:
0x35: {  	[tilespmem:s23+$0x0 ss:$0x810] =	vst.msk $0xff, v1;
	v1 =	vld.idx.msk [tilespmem:v0+s25+$0x0 ss:$0x1], $0xff;
	(pc) =	sbr.rel @p1 .LBB1_4-.Ltmp3, $2  }
0x36: {  	_ =	sdelay $0x2  }
0x37: {  	s23 =	sadd.s32 $0x81, s23  }
0x38: {  	s22 =	sadd.s32 $0x1, s22  }
0x39: {  	p1 =	sne.s32 s22, $0x80  }
.Ltmp4:
0x3a: {  	_ = 	snop;
	(pc) =	sbr.rel @p1 .LBB1_3-.Ltmp4, $2  }
0x3b: {  	_ =	sdelay $0x2  }
0x3c: {  	[tilespmem:s23+$0x0 ss:$0x810] =	vst.msk $0xff, v1;
	s20 =	sadd.s32 $0x80, s20;
	s21 =	sadd.s32 $0x1, s21  }
0x3d: {  	s20 =	sand.u32 $0x78, s16  }
0x3e: {  	s21 =	sshll.u32 s18, $0x9;
	s22 =	sshll.u32 s16, $0x3;
	s27 =	sshll.u32 s18, $0x7  }
0x3f: {  	s17 =	sshll.u32 s17, $0xF;
	s15 =	sshll.u32 s15, $0xA;
	s30 =	sand.u32 $0x7, s16  }
0x40: {  	s21 =	sand.u32 $0x1000, s21;
	s22 =	sand.u32 $0x1C00, s22;
	s28 =	sand.u32 $0x200, s27  }
0x41: {  	s18 =	sand.u32 $0x180, s27;
	s17 =	sadd.s32 s2, s17;
	s21 =	sadd.s32 s22, s21  }
.Ltmp5:
0x42: {  	s18 =	sor.u32 s20, s18;
	s21 =	sor.u32 s28, s21;
	(pc) =	sbr.rel .LBB1_7-.Ltmp5, $4  }
0x43: {  	s15 =	sadd.s32 s15, s17;
	s18 =	sshrl.u32 s18, $0x3;
	s29 =	sshrl.u32 s21, $0x3  }
0x44: {  	s16 =	sshll.u32 s30, $0x12;
	s15 =	sadd.s32 s18, s15;
	s31 =	sand.u32 $0x3C0, s29  }
0x45: {  	s16 =	sor.u32 $0x400, s16;
	s15 =	sadd.s32 s31, s15  }
0x46: {  	[hbm4b:s15+s16] =	stream.strided.scatter [tilespmem:s19], [sflag:$0x2], $0x4000, s9, s16, $0x20;
	[tilespmem:$0x10100] =	vst v63  }
.LBB1_8:
0x47: {  	_ =	sfence.sel $0x180000  }
0x48: {  	s2 =	simm.s32 $0x1;
	[bflag:$0x0] =	sbarrier.arrive $0xFFFF  }
0x49: {  	s31 =	simm.s32 $0x2;
	[sflag:s2] =	ssyncpa.u1 $0x1  }
0x4a: {  	[sflag:s31] =	ssyncpa.u1 $0x1  }
0x4b: {  	p0 =	sne.s32 s0, $0x0;
	_ =	strace $0x90000047  }
0x4c: {  	s0 =	sadd.s32 @!p0 $0x100000, s1;
	[bflag:$0x2] =	sbarrier.arrive $0xFFFF  }
0x4d: {  	[sflag:s0] =	ssyncadd.tile.s32 @!p0 $0x1;
	_ =	shalt  }
.Lfunc_end1:
_tile_overlayer_lowered:
.L_overlay_start_2:
0x4e: {  	(tag) =	ssettag $0x2  }
0x4f: {  	s0 =	rddreg [dreg:$0x0];
	s2 =	stileid.u32  }
0x50: {  	s1 =	rddreg [dreg:$0x1];
	p0 =	sne.s32 s2, $0x0  }
0x51: {  	s3 =	rddreg [dreg:$0x2];
	[bflag:$0x3] =	sbarrier.arrive $0xFFFF;
	s2 =	simm.s32 @!p0 $0x1C01  }
0x52: {  	[timem:s3], [sflag:s2] =	dma.local @!p0 [hbm:s0], s1  }
0x53: {  	s0 =	simm.s32 @!p0 $0x1  }
0x54: {  	_ =	swait.ge @!p0 [sflag:s0], s1  }
0x55: {  	s1 =	ssub.s32 @!p0 $0x0, s1;
	[sflag:s0] =	ssyncset.done @!p0 $0x0  }
0x56: {  	[sflag:s0] =	ssyncadd.s32 @!p0 s1  }
0x57: {  	[bflag:$0x3] =	sbarrier.arrive $0xFFFF  }
0x58: {  	_ =	shalt  }

</sc_bundles>
